<compile_context>
chip_gen: v7x
topology: tpu7x:2x2x1
jax: 0.10.2.dev20260603
libtpu: 0.0.44.dev20260713+nightly
codegen_flags: <defaults>
</compile_context>

<pallas_src>
import functools

import jax
import jax.numpy as jnp
from jax import lax
from jax.experimental import pallas as pl
from jax.experimental.pallas import tpu as pltpu
from jax.experimental.pallas import tpu_sc as plsc

_TILE_I = 2048
_EPS = 1e-8


def _match_body(src_ref, dst_ref, conf_ref, idx_ref):
    src = src_ref[0]
    dst = dst_ref[0]
    n = dst.shape[0]
    t_ = pl.program_id(0)
    dots = jax.lax.dot_general(
        dst, src, (((1,), (1,)), ((), ())),
        preferred_element_type=jnp.float32)
    ns = jnp.maximum(jnp.sqrt(jnp.sum(src * src, axis=1)), _EPS)
    nd = jnp.maximum(jnp.sqrt(jnp.sum(dst * dst, axis=1)), _EPS)
    scaled = dots / nd[:, None]
    conf_ref[0, 0] = jnp.max(scaled, axis=0) / ns
    idx_ref[0, 0] = jnp.argmax(scaled, axis=0).astype(jnp.int32) + t_ * n


def _make_sc_gather(n_rows):
    rows_per_w = n_rows // 32
    n_steps = rows_per_w // 16
    mesh = plsc.VectorSubcoreMesh(core_axis_name="c", subcore_axis_name="s")

    @functools.partial(
        pl.kernel,
        mesh=mesh,
        compiler_params=pltpu.CompilerParams(needs_layout_passes=False),
        out_type=[
            jax.ShapeDtypeStruct((n_rows,), jnp.float32),
            jax.ShapeDtypeStruct((n_rows,), jnp.float32),
        ],
        scratch_types=[
            pltpu.VMEM((n_rows,), jnp.float32),
            pltpu.VMEM((n_rows,), jnp.float32),
            pltpu.VMEM((rows_per_w,), jnp.int32),
            pltpu.VMEM((rows_per_w,), jnp.float32),
            pltpu.VMEM((rows_per_w,), jnp.float32),
        ],
    )
    def gather_k(px_hbm, py_hbm, idx_hbm, ox_hbm, oy_hbm,
                 px_v, py_v, idx_v, ox_v, oy_v):
        wid = lax.axis_index("s") * 2 + lax.axis_index("c")
        base = wid * rows_per_w
        pltpu.sync_copy(px_hbm, px_v)
        pltpu.sync_copy(py_hbm, py_v)
        pltpu.sync_copy(idx_hbm.at[pl.ds(base, rows_per_w)], idx_v)

        def step(i, carry):
            rows = idx_v[pl.ds(i * 16, 16)]
            ox_v[pl.ds(i * 16, 16)] = plsc.load_gather(px_v, [rows])
            oy_v[pl.ds(i * 16, 16)] = plsc.load_gather(py_v, [rows])
            return carry

        lax.fori_loop(0, n_steps, step, 0)
        pltpu.sync_copy(ox_v, ox_hbm.at[pl.ds(base, rows_per_w)])
        pltpu.sync_copy(oy_v, oy_hbm.at[pl.ds(base, rows_per_w)])

    return gather_k


def kernel(descriptors, points):
    t, n, d = descriptors.shape
    tm1 = t - 1
    n_i = n // _TILE_I
    conf, idx = pl.pallas_call(
        _match_body,
        grid=(tm1, n_i),
        in_specs=[
            pl.BlockSpec((1, _TILE_I, d), lambda t_, i: (t_, i, 0)),
            pl.BlockSpec((1, n, d), lambda t_, i: (t_ + 1, 0, 0)),
        ],
        out_specs=[
            pl.BlockSpec((1, 1, _TILE_I), lambda t_, i: (t_ * n_i + i, 0, 0)),
            pl.BlockSpec((1, 1, _TILE_I), lambda t_, i: (t_ * n_i + i, 0, 0)),
        ],
        out_shape=[
            jax.ShapeDtypeStruct((tm1 * n_i, 1, _TILE_I), jnp.float32),
            jax.ShapeDtypeStruct((tm1 * n_i, 1, _TILE_I), jnp.int32),
        ],
    )(descriptors, descriptors)
    confidence = conf.reshape(tm1, n)
    n_rows = tm1 * n
    px = points[1:, :, 0].reshape(n_rows)
    py = points[1:, :, 1].reshape(n_rows)
    ox, oy = _make_sc_gather(n_rows)(px, py, idx.reshape(n_rows))
    matched = jnp.stack([ox, oy], axis=-1).reshape(tm1, n, 2)
    return (matched, confidence)

# --- scband reference (transcript-rebuilt; emitter-appended) ---
"""Pipeline reference for scband-consecutive-match-53231824666982 (READ-ONLY COPY).

The authoritative reference and input builder live on the scoring server;
editing this copy changes nothing except your own understanding.
"""

import jax, jax.numpy as jnp
import numpy as np


def setup_inputs(seed: int = 0) -> dict:
    key = jax.random.key(seed)
    k1, k2 = jax.random.split(key)
    descriptors = jax.random.normal(k1, (9, 2048, 32), dtype=jnp.float32)
    points = jax.random.normal(k2, (9, 2048, 2), dtype=jnp.float32)
    return {"descriptors": descriptors, "points": points}


def reference(descriptors, points):
    # Faithful translation of ConsecutiveMatch.forward
    eps = 1e-8  # torch nn.CosineSimilarity default eps
    desc_src = descriptors[:-1]  # [T-1, N, D]
    desc_dst = descriptors[1:]   # [T-1, N, D]
    # torch builds c[i, j, t] = cos(desc_src[t, i, :], desc_dst[t, j, :]) over dim D,
    # then permutes to pcos[t, i, j]. Compute pcos directly.
    dots = jnp.einsum('tid,tjd->tij', desc_src, desc_dst)  # [T-1, N, N]
    ns = jnp.maximum(jnp.linalg.norm(desc_src, axis=-1), eps)  # [T-1, N]
    nd = jnp.maximum(jnp.linalg.norm(desc_dst, axis=-1), eps)  # [T-1, N]
    pcos = dots / (ns[:, :, None] * nd[:, None, :])            # [T-1, N, N]
    confidence = jnp.max(pcos, axis=2)   # [T-1, N]
    idx = jnp.argmax(pcos, axis=2)       # [T-1, N]
    # points[1:].gather(1, idx expanded to (...,2))
    matched = jnp.take_along_axis(points[1:], idx[:, :, None], axis=1)  # [T-1, N, 2]
    return (matched, confidence)

if __name__ == "__main__":
    import jax
    _d = setup_inputs()
    print(jax.jit(kernel)(*tuple(_d.values())))

</pallas_src>

<mosaic_0001>
#map = affine_map<(d0, d1) -> (0)>
module attributes {stable_mosaic.version = 14 : i64} {
  func.func @gather_k(%arg0: i32, %arg1: i32, %arg2: memref<16384xf32, #tpu.memory_space<hbm>>, %arg3: memref<16384xf32, #tpu.memory_space<hbm>>, %arg4: memref<16384xi32, #tpu.memory_space<hbm>>, %arg5: memref<16384xf32, #tpu.memory_space<hbm>>, %arg6: memref<16384xf32, #tpu.memory_space<hbm>>, %arg7: memref<16384xf32, #tpu.memory_space<vmem>>, %arg8: memref<16384xf32, #tpu.memory_space<vmem>>, %arg9: memref<512xi32, #tpu.memory_space<vmem>>, %arg10: memref<512xf32, #tpu.memory_space<vmem>>, %arg11: memref<512xf32, #tpu.memory_space<vmem>>) attributes {dimension_semantics = [#tpu.dimension_semantics<core_parallel>, #tpu.dimension_semantics<subcore_parallel>], iteration_bounds = array<i64: 2, 16>, scalar_prefetch = 0 : i64, scratch_operands = 5 : i64, tpu.core_type = #tpu.core_type<sc_vector_subcore>, window_params = [{transform_indices = #map}, {transform_indices = #map}, {transform_indices = #map}, {transform_indices = #map}, {transform_indices = #map}]} {
    %mul3A = arith.constant 2 : i32
    %mul3A_0 = arith.muli %arg1, %mul3A : i32
    %add3A = arith.addi %mul3A_0, %arg0 : i32
    %mul3A_1 = arith.constant 512 : i32
    %mul3A_2 = arith.muli %add3A, %mul3A_1 : i32
    "tpu.region"() ({
      %run_scoped3A = tpu.sem_alloc : memref<!tpu.dma_semaphore, #tpu.memory_space<semaphore_mem>>
      tpu.enqueue_dma source(%arg2 : memref<16384xf32, #tpu.memory_space<hbm>>) target(%arg7 : memref<16384xf32, #tpu.memory_space<vmem>>) target_semaphore(%run_scoped3A : memref<!tpu.dma_semaphore, #tpu.memory_space<semaphore_mem>>)
      tpu.wait_dma2 semaphore(%run_scoped3A : memref<!tpu.dma_semaphore, #tpu.memory_space<semaphore_mem>>) src(%arg2 : memref<16384xf32, #tpu.memory_space<hbm>>) dst(%arg7 : memref<16384xf32, #tpu.memory_space<vmem>>)
      tpu.yield
    }) : () -> ()
    "tpu.region"() ({
      %run_scoped3A = tpu.sem_alloc : memref<!tpu.dma_semaphore, #tpu.memory_space<semaphore_mem>>
      tpu.enqueue_dma source(%arg3 : memref<16384xf32, #tpu.memory_space<hbm>>) target(%arg8 : memref<16384xf32, #tpu.memory_space<vmem>>) target_semaphore(%run_scoped3A : memref<!tpu.dma_semaphore, #tpu.memory_space<semaphore_mem>>)
      tpu.wait_dma2 semaphore(%run_scoped3A : memref<!tpu.dma_semaphore, #tpu.memory_space<semaphore_mem>>) src(%arg3 : memref<16384xf32, #tpu.memory_space<hbm>>) dst(%arg8 : memref<16384xf32, #tpu.memory_space<vmem>>)
      tpu.yield
    }) : () -> ()
    "tpu.region"() ({
      %run_scoped3A = tpu.sem_alloc : memref<!tpu.dma_semaphore, #tpu.memory_space<semaphore_mem>>
      %dma_start3A = tpu.memref_slice %arg4[%mul3A_2] : memref<16384xi32, #tpu.memory_space<hbm>> -> memref<512xi32, #tpu.memory_space<hbm>>
      %dma_start3A_8 = tpu.memref_slice %arg4[%mul3A_2] : memref<16384xi32, #tpu.memory_space<hbm>> -> memref<512xi32, #tpu.memory_space<hbm>>
      tpu.enqueue_dma source(%dma_start3A_8 : memref<512xi32, #tpu.memory_space<hbm>>) target(%arg9 : memref<512xi32, #tpu.memory_space<vmem>>) target_semaphore(%run_scoped3A : memref<!tpu.dma_semaphore, #tpu.memory_space<semaphore_mem>>)
      %dma_wait3A = tpu.memref_slice %arg4[%mul3A_2] : memref<16384xi32, #tpu.memory_space<hbm>> -> memref<512xi32, #tpu.memory_space<hbm>>
      %dma_wait3A_9 = tpu.memref_slice %arg4[%mul3A_2] : memref<16384xi32, #tpu.memory_space<hbm>> -> memref<512xi32, #tpu.memory_space<hbm>>
      tpu.wait_dma2 semaphore(%run_scoped3A : memref<!tpu.dma_semaphore, #tpu.memory_space<semaphore_mem>>) src(%dma_wait3A_9 : memref<512xi32, #tpu.memory_space<hbm>>) dst(%arg9 : memref<512xi32, #tpu.memory_space<vmem>>)
      tpu.yield
    }) : () -> ()
    %scan3A = arith.constant 0 : i32
    %scan3A_3 = arith.constant 0 : i32
    %scan3A_4 = arith.constant 32 : i32
    %scan3A_5 = arith.addi %scan3A_3, %scan3A_4 : i32
    %scan3A_6 = arith.constant 1 : i32
    scf.for %scan3A_8 = %scan3A_3 to %scan3A_5 step %scan3A_6  : i32 {
      %mul3A_9 = arith.constant 16 : i32
      %mul3A_10 = arith.muli %scan3A_8, %mul3A_9 : i32
      %get3A = arith.index_cast %mul3A_10 : i32 to index
      %get3A_11 = tpu.vector_load %arg9[%get3A] {strides = array<i32>} : memref<512xi32, #tpu.memory_space<vmem>>, vector<16xi32>,
      %gather3A = tpu.vector_load_idx %arg7[%get3A_11] : memref<16384xf32, #tpu.memory_space<vmem>>[vector<16xi32>], vector<16xf32>,
      %mul3A_12 = arith.constant 16 : i32
      %mul3A_13 = arith.muli %scan3A_8, %mul3A_12 : i32
      %swap3A = arith.index_cast %mul3A_13 : i32 to index
      %swap3A_14 = tpu.vector_load %arg10[%swap3A] {strides = array<i32>} : memref<512xf32, #tpu.memory_space<vmem>>, vector<16xf32>,
      tpu.vector_store %arg10[%swap3A], %gather3A {strides = array<i32>} : memref<512xf32, #tpu.memory_space<vmem>>, vector<16xf32>,
      %gather3A_15 = tpu.vector_load_idx %arg8[%get3A_11] : memref<16384xf32, #tpu.memory_space<vmem>>[vector<16xi32>], vector<16xf32>,
      %mul3A_16 = arith.constant 16 : i32
      %mul3A_17 = arith.muli %scan3A_8, %mul3A_16 : i32
      %swap3A_18 = arith.index_cast %mul3A_17 : i32 to index
      %swap3A_19 = tpu.vector_load %arg11[%swap3A_18] {strides = array<i32>} : memref<512xf32, #tpu.memory_space<vmem>>, vector<16xf32>,
      tpu.vector_store %arg11[%swap3A_18], %gather3A_15 {strides = array<i32>} : memref<512xf32, #tpu.memory_space<vmem>>, vector<16xf32>,
    }
    %scan3A_7 = arith.constant 32 : i32
    "tpu.region"() ({
      %run_scoped3A = tpu.sem_alloc : memref<!tpu.dma_semaphore, #tpu.memory_space<semaphore_mem>>
      %dma_start3A = tpu.memref_slice %arg5[%mul3A_2] : memref<16384xf32, #tpu.memory_space<hbm>> -> memref<512xf32, #tpu.memory_space<hbm>>
      %dma_start3A_8 = tpu.memref_slice %arg5[%mul3A_2] : memref<16384xf32, #tpu.memory_space<hbm>> -> memref<512xf32, #tpu.memory_space<hbm>>
      tpu.enqueue_dma source(%arg10 : memref<512xf32, #tpu.memory_space<vmem>>) target(%dma_start3A_8 : memref<512xf32, #tpu.memory_space<hbm>>) target_semaphore(%run_scoped3A : memref<!tpu.dma_semaphore, #tpu.memory_space<semaphore_mem>>)
      %dma_wait3A = tpu.memref_slice %arg5[%mul3A_2] : memref<16384xf32, #tpu.memory_space<hbm>> -> memref<512xf32, #tpu.memory_space<hbm>>
      %dma_wait3A_9 = tpu.memref_slice %arg5[%mul3A_2] : memref<16384xf32, #tpu.memory_space<hbm>> -> memref<512xf32, #tpu.memory_space<hbm>>
      tpu.wait_dma2 semaphore(%run_scoped3A : memref<!tpu.dma_semaphore, #tpu.memory_space<semaphore_mem>>) src(%arg10 : memref<512xf32, #tpu.memory_space<vmem>>) dst(%dma_wait3A_9 : memref<512xf32, #tpu.memory_space<hbm>>)
      tpu.yield
    }) : () -> ()
    "tpu.region"() ({
      %run_scoped3A = tpu.sem_alloc : memref<!tpu.dma_semaphore, #tpu.memory_space<semaphore_mem>>
      %dma_start3A = tpu.memref_slice %arg6[%mul3A_2] : memref<16384xf32, #tpu.memory_space<hbm>> -> memref<512xf32, #tpu.memory_space<hbm>>
      %dma_start3A_8 = tpu.memref_slice %arg6[%mul3A_2] : memref<16384xf32, #tpu.memory_space<hbm>> -> memref<512xf32, #tpu.memory_space<hbm>>
      tpu.enqueue_dma source(%arg11 : memref<512xf32, #tpu.memory_space<vmem>>) target(%dma_start3A_8 : memref<512xf32, #tpu.memory_space<hbm>>) target_semaphore(%run_scoped3A : memref<!tpu.dma_semaphore, #tpu.memory_space<semaphore_mem>>)
      %dma_wait3A = tpu.memref_slice %arg6[%mul3A_2] : memref<16384xf32, #tpu.memory_space<hbm>> -> memref<512xf32, #tpu.memory_space<hbm>>
      %dma_wait3A_9 = tpu.memref_slice %arg6[%mul3A_2] : memref<16384xf32, #tpu.memory_space<hbm>> -> memref<512xf32, #tpu.memory_space<hbm>>
      tpu.wait_dma2 semaphore(%run_scoped3A : memref<!tpu.dma_semaphore, #tpu.memory_space<semaphore_mem>>) src(%arg11 : memref<512xf32, #tpu.memory_space<vmem>>) dst(%dma_wait3A_9 : memref<512xf32, #tpu.memory_space<hbm>>)
      tpu.yield
    }) : () -> ()
    return
  }
}

module attributes {stable_mosaic.version = 14 : i64} {
  func.func @_match_body(%arg0: i32, %arg1: i32, %arg2: memref<1x2048x32xf32, #tpu.memory_space<vmem>>, %arg3: memref<1x2048x32xf32, #tpu.memory_space<vmem>>, %arg4: memref<1x1x2048xf32, #tpu.memory_space<vmem>>, %arg5: memref<1x1x2048xi32, #tpu.memory_space<vmem>>) attributes {dimension_semantics = [#tpu.dimension_semantics<arbitrary>, #tpu.dimension_semantics<arbitrary>], iteration_bounds = array<i64: 8, 1>, scalar_prefetch = 0 : i64, scratch_operands = 0 : i64, tpu.core_type = #tpu.core_type<tc>, window_params = [{transform_indices = @transform_0, window_bounds = array<i64: 1, 2048, 32>}, {transform_indices = @transform_1, window_bounds = array<i64: 1, 2048, 32>}, {transform_indices = @transform_2, window_bounds = array<i64: 1, 1, 2048>}, {transform_indices = @transform_3, window_bounds = array<i64: 1, 1, 2048>}]} {
    %get3A = arith.constant 0 : index
    %get3A_0 = arith.constant 0 : index
    %get3A_1 = arith.constant 0 : index
    %get3A_2 = vector.load %arg2[%get3A, %get3A_0, %get3A_1] : memref<1x2048x32xf32, #tpu.memory_space<vmem>>, vector<1x2048x32xf32>
    %get3A_3 = vector.shape_cast %get3A_2 : vector<1x2048x32xf32> to vector<2048x32xf32>
    %get3A_4 = arith.constant 0 : index
    %get3A_5 = arith.constant 0 : index
    %get3A_6 = arith.constant 0 : index
    %get3A_7 = vector.load %arg3[%get3A_4, %get3A_5, %get3A_6] : memref<1x2048x32xf32, #tpu.memory_space<vmem>>, vector<1x2048x32xf32>
    %get3A_8 = vector.shape_cast %get3A_7 : vector<1x2048x32xf32> to vector<2048x32xf32>
    %dot_general3A = arith.constant dense<0.000000e+00> : vector<2048x2048xf32>
    %dot_general3A_9 = tpu.matmul %get3A_8, %get3A_3, %dot_general3A {dimension_numbers = #tpu.dot_dimension_numbers<[1], [1], [0], [0], [0, 0, 1, 0], [], []>, transpose_lhs_hint = false} : vector<2048x32xf32>, vector<2048x32xf32>, vector<2048x2048xf32> -> vector<2048x2048xf32>
    %mul3A = arith.mulf %get3A_3, %get3A_3 : vector<2048x32xf32>
    %reduce_sum3A = arith.constant dense<0.000000e+00> : vector<2048xf32>
    %reduce_sum3A_10 = vector.multi_reduction <add>, %mul3A, %reduce_sum3A [1] : vector<2048x32xf32> to vector<2048xf32>
    %sqrt3A = math.sqrt %reduce_sum3A_10 : vector<2048xf32>
    %max3A = arith.constant 9.99999993E-9 : f32
    %max3A_11 = vector.broadcast %max3A : f32 to vector<2048xf32>
    %max3A_12 = arith.maximumf %sqrt3A, %max3A_11 : vector<2048xf32>
    %mul3A_13 = arith.mulf %get3A_8, %get3A_8 : vector<2048x32xf32>
    %reduce_sum3A_14 = arith.constant dense<0.000000e+00> : vector<2048xf32>
    %reduce_sum3A_15 = vector.multi_reduction <add>, %mul3A_13, %reduce_sum3A_14 [1] : vector<2048x32xf32> to vector<2048xf32>
    %sqrt3A_16 = math.sqrt %reduce_sum3A_15 : vector<2048xf32>
    %max3A_17 = arith.constant 9.99999993E-9 : f32
    %max3A_18 = vector.broadcast %max3A_17 : f32 to vector<2048xf32>
    %max3A_19 = arith.maximumf %sqrt3A_16, %max3A_18 : vector<2048xf32>
    %broadcast_in_dim3A = vector.shape_cast %max3A_19 : vector<2048xf32> to vector<2048x1xf32>
    %div3A = vector.broadcast %broadcast_in_dim3A : vector<2048x1xf32> to vector<2048x2048xf32>
    %div3A_20 = arith.divf %dot_general3A_9, %div3A : vector<2048x2048xf32>
    %reduce_max3A = arith.constant dense<0xFF800000> : vector<2048xf32>
    %reduce_max3A_21 = vector.multi_reduction <maximumf>, %div3A_20, %reduce_max3A [0] : vector<2048x2048xf32> to vector<2048xf32>
    %div3A_22 = arith.divf %reduce_max3A_21, %max3A_12 : vector<2048xf32>
    %swap3A = arith.constant 0 : index
    %swap3A_23 = arith.constant 0 : index
    %swap3A_24 = arith.constant 0 : index
    %swap3A_25 = vector.load %arg4[%swap3A, %swap3A_23, %swap3A_24] : memref<1x1x2048xf32, #tpu.memory_space<vmem>>, vector<1x1x2048xf32>
    %swap3A_26 = vector.shape_cast %swap3A_25 : vector<1x1x2048xf32> to vector<2048xf32>
    %swap3A_27 = vector.shape_cast %div3A_22 : vector<2048xf32> to vector<1x1x2048xf32>
    tpu.vector_store %arg4[%swap3A, %swap3A_23, %swap3A_24], %swap3A_27 {strides = array<i32>} : memref<1x1x2048xf32, #tpu.memory_space<vmem>>, vector<1x1x2048xf32>,
    %argmax3A = tpu.reduce_index %div3A_20 {axis = 0 : i32, kind = #tpu.reduction_kind<arg_max>} : vector<2048x2048xf32> -> vector<2048xi32>
    %mul3A_28 = arith.constant 2048 : i32
    %mul3A_29 = arith.muli %arg0, %mul3A_28 : i32
    %add3A = vector.broadcast %mul3A_29 : i32 to vector<2048xi32>
    %add3A_30 = arith.addi %argmax3A, %add3A : vector<2048xi32>
    %swap3A_31 = arith.constant 0 : index
    %swap3A_32 = arith.constant 0 : index
    %swap3A_33 = arith.constant 0 : index
    %swap3A_34 = vector.load %arg5[%swap3A_31, %swap3A_32, %swap3A_33] : memref<1x1x2048xi32, #tpu.memory_space<vmem>>, vector<1x1x2048xi32>
    %swap3A_35 = vector.shape_cast %swap3A_34 : vector<1x1x2048xi32> to vector<2048xi32>
    %swap3A_36 = vector.shape_cast %add3A_30 : vector<2048xi32> to vector<1x1x2048xi32>
    tpu.vector_store %arg5[%swap3A_31, %swap3A_32, %swap3A_33], %swap3A_36 {strides = array<i32>} : memref<1x1x2048xi32, #tpu.memory_space<vmem>>, vector<1x1x2048xi32>,
    return
  }
  func.func @transform_0(%arg0: i32, %arg1: i32) -> (i32, i32, i32) {
    %c0_i32 = arith.constant 0 : i32
    %c0_i32_0 = arith.constant 0 : i32
    return %arg0, %arg1, %c0_i32 : i32, i32, i32
  }
  func.func @transform_1(%arg0: i32, %arg1: i32) -> (i32, i32, i32) {
    %add3A = arith.constant 1 : i32
    %add3A_0 = arith.addi %arg0, %add3A : i32
    %c0_i32 = arith.constant 0 : i32
    %c0_i32_1 = arith.constant 0 : i32
    %c0_i32_2 = arith.constant 0 : i32
    return %add3A_0, %c0_i32, %c0_i32_1 : i32, i32, i32
  }
  func.func @transform_2(%arg0: i32, %arg1: i32) -> (i32, i32, i32) {
    %mul3A = arith.constant 1 : i32
    %mul3A_0 = arith.muli %arg0, %mul3A : i32
    %add3A = arith.addi %mul3A_0, %arg1 : i32
    %c0_i32 = arith.constant 0 : i32
    %c0_i32_1 = arith.constant 0 : i32
    %c0_i32_2 = arith.constant 0 : i32
    return %add3A, %c0_i32, %c0_i32_1 : i32, i32, i32
  }
  func.func @transform_3(%arg0: i32, %arg1: i32) -> (i32, i32, i32) {
    %mul3A = arith.constant 1 : i32
    %mul3A_0 = arith.muli %arg0, %mul3A : i32
    %add3A = arith.addi %mul3A_0, %arg1 : i32
    %c0_i32 = arith.constant 0 : i32
    %c0_i32_1 = arith.constant 0 : i32
    %c0_i32_2 = arith.constant 0 : i32
    return %add3A, %c0_i32, %c0_i32_1 : i32, i32, i32
  }
}

</mosaic_0001>

<sc_bundles>
// kernel: kernel.4.cloned.1.call-start
scs
__scs_entry_jumppad:
0x0: {  	(pc) =	sbr.rel $0x88, $3  }
0x1: {  	(tag) =	ssettag $0x0;
	lr =	simm.s32 $0x1  }
0x2: {  	[smem:$0x3F9F] =	sst lr;
	_ =	strace $0xD0000000  }
0x3: {  	_ = 	snop  }
0x4: {  	_ = 	snop  }
0x5: {  	_ = 	snop  }
0x6: {  	_ = 	snop  }
0x7: {  	_ = 	snop  }
__scs_overlays_trampoline_lowered:
0x8: {  	[smem:$0x3FAE] =	sst s0  }
0x9: {  	[smem:$0x3FAF] =	sst s1  }
0xa: {  	[smem:$0x3FB0] =	sst s2  }
0xb: {  	[smem:$0x3FB1] =	sst s3  }
0xc: {  	[smem:$0x3FB2] =	sst s4  }
0xd: {  	[smem:$0x3FB3] =	sst s5  }
0xe: {  	[smem:$0x3FB4] =	sst s6  }
0xf: {  	[smem:$0x3FB5] =	sst s7  }
0x10: {  	[smem:$0x3FB6] =	sst s8  }
0x11: {  	[smem:$0x3FB7] =	sst s9;
	s0 =	simm.s32 @!p0 $0x0  }
0x12: {  	s1 =	sld [smem:$0x3F9D];
	s0 =	simm.s32 @p0 $0x1  }
0x13: {  	[smem:$0x3FB8] =	sst s0;
	s0 =	simm.s32 @!p1 $0x0  }
0x14: {  	s2 =	sld [smem:$0x3F9C];
	s0 =	simm.s32 @p1 $0x1  }
0x15: {  	[smem:$0x3FB9] =	sst s0;
	s0 =	simm.s32 @!p2 $0x0  }
0x16: {  	s3 =	sld [smem:$0x3FDB];
	s0 =	simm.s32 @p2 $0x1  }
0x17: {  	s4 =	simm.s32 $0x1BF5;
	[smem:$0x3FBB] =	sst s0  }
0x18: {  	s0 =	sld [smem:$0x3F9E];
	_ =	swait.ge [sflag:s4], $0x0  }
0x19: {  	s7 =	sld [smem:$0x3F9F]  }
0x1a: {  	s8 =	sadd.s32 $0xFFFFE003, lr  }
0x1b: {  	s9 =	sadd.s32 $0xFFFFFEF7, lr;
	s5 =	simm.s32 $0xFFFFFFFF;
	p2 =	slt.u32 s8, $0xFFFFF086  }
0x1c: {  	p1 =	slt.u32 s9, $0xF7A;
	s5 =	simm.s32 @!p2 $0x0  }
0x1d: {  	s5 =	simm.s32 @p1 $0x1;
	p0 =	seq.s32 s7, s2  }
0x1e: {  	s7 =	smul.u32 @!p0 $0xF7A, s2;
	p2 =	seq.s32 @!p0 s5, $0x0  }
0x1f: {  	s9 =	smul.u32 $0xF7A, s1;
	s8 =	simm.s32 @!p0 $0x1BF5;
	p2 =	por !p2, p0  }
0x20: {  	[sflag:s8] =	ssyncset.s32 @!p0 $0xFFFFF086;
	s6 =	sadd.s32 @!p0 s3, s7;
	s7 =	simm.s32 @!p0 $0x108  }
0x21: {  	s3 =	sadd.s32 s3, s9;
	s6 =	sadd.s32 @!p0 $0x88, s6;
	s7 =	simm.s32 @p2 $0x1082  }
0x22: {  	[simem:s7], [sflag:s8] =	dma.local @!p0 [hbm:s6], $0xF7A  }
0x23: {  	s9 =	sor.u32 $0xD0000000, s2;
	s6 =	simm.s32 $0x108;
	_ =	swait.ge @!p0 [sflag:s8], $0x0  }
0x24: {  	s3 =	sadd.s32 $0x88, s3;
	s6 =	simm.s32 @!p1 $0x1082;
	[sflag:s4] =	ssyncset.s32 $0xFFFFF086  }
0x25: {  	[simem:s6], [sflag:s4] =	dma.local [hbm:s3], $0xF7A  }
0x26: {  	[smem:$0x3F9F] =	sst s1;
	(tag) =	ssettag s2;
	_ =	strace s9  }
0x27: {  	s1 =	sld [smem:$0x3FAF]  }
0x28: {  	s2 =	sld [smem:$0x3FB0]  }
0x29: {  	s4 =	sld [smem:$0x3FB2]  }
0x2a: {  	p0 =	seq.s32 s5, $0x0;
	s5 =	sld [smem:$0x3FB3]  }
0x2b: {  	s6 =	sld [smem:$0x3FB4]  }
0x2c: {  	s7 =	sld [smem:$0x3FB5]  }
0x2d: {  	s3 =	simm.s32 $0x108;
	s8 =	sld [smem:$0x3FB6]  }
0x2e: {  	s3 =	simm.s32 @!p0 $0x1082;
	s9 =	sld [smem:$0x3FB7]  }
0x2f: {  	lr =	sadd.s32 s0, s3;
	s0 =	sld [smem:$0x3FAE]  }
0x30: {  	s3 =	sld [smem:$0x3FB1]  }
0x31: {  	[smem:$0x3FBA] =	sst s10  }
0x32: {  	s10 =	sld [smem:$0x3FB8];
	_ =	sdelay $0x3  }
0x33: {  	p0 =	seq.s32 s10, $0x1;
	s10 =	sld [smem:$0x3FBA];
	_ =	sdelay $0x3  }
0x34: {  	[smem:$0x3FBA] =	sst s10  }
0x35: {  	s10 =	sld [smem:$0x3FB9];
	_ =	sdelay $0x3  }
0x36: {  	p1 =	seq.s32 s10, $0x1;
	s10 =	sld [smem:$0x3FBA];
	_ =	sdelay $0x3  }
0x37: {  	[smem:$0x3FBA] =	sst s10  }
0x38: {  	s10 =	sld [smem:$0x3FBB]  }
0x39: {  	_ = 	snop;
	(pc) =	sbr.ind lr, $3  }
0x3a: {  	_ = 	snop  }
0x3b: {  	_ = 	snop  }
0x3c: {  	p2 =	seq.s32 s10, $0x1;
	s10 =	sld [smem:$0x3FBA]  }
0x3d: {  	_ =	shalt  }
0x3e: {  	_ =	shalt  }
0x3f: {  	_ =	shalt  }
0x40: {  	_ =	shalt  }
0x41: {  	_ =	shalt  }
0x42: {  	_ =	shalt  }
0x43: {  	_ =	shalt  }
0x44: {  	_ =	shalt  }
0x45: {  	_ =	shalt  }
0x46: {  	_ =	shalt  }
0x47: {  	_ =	shalt  }
0x48: {  	_ =	shalt  }
0x49: {  	_ =	shalt  }
0x4a: {  	_ =	shalt  }
0x4b: {  	_ =	shalt  }
0x4c: {  	_ =	shalt  }
0x4d: {  	_ =	shalt  }
0x4e: {  	_ =	shalt  }
0x4f: {  	_ =	shalt  }
0x50: {  	_ =	shalt  }
0x51: {  	_ =	shalt  }
0x52: {  	_ =	shalt  }
0x53: {  	_ =	shalt  }
0x54: {  	_ =	shalt  }
0x55: {  	_ =	shalt  }
0x56: {  	_ =	shalt  }
0x57: {  	_ =	shalt  }
0x58: {  	_ =	shalt  }
0x59: {  	_ =	shalt  }
0x5a: {  	_ =	shalt  }
0x5b: {  	_ =	shalt  }
0x5c: {  	_ =	shalt  }
0x5d: {  	_ =	shalt  }
0x5e: {  	_ =	shalt  }
0x5f: {  	_ =	shalt  }
0x60: {  	_ =	shalt  }
0x61: {  	_ =	shalt  }
0x62: {  	_ =	shalt  }
0x63: {  	_ =	shalt  }
0x64: {  	_ =	shalt  }
0x65: {  	_ =	shalt  }
0x66: {  	_ =	shalt  }
0x67: {  	_ =	shalt  }
0x68: {  	_ =	shalt  }
0x69: {  	_ =	shalt  }
0x6a: {  	_ =	shalt  }
0x6b: {  	_ =	shalt  }
0x6c: {  	_ =	shalt  }
0x6d: {  	_ =	shalt  }
0x6e: {  	_ =	shalt  }
0x6f: {  	_ =	shalt  }
0x70: {  	_ =	shalt  }
0x71: {  	_ =	shalt  }
0x72: {  	_ =	shalt  }
0x73: {  	_ =	shalt  }
0x74: {  	_ =	shalt  }
0x75: {  	_ =	shalt  }
0x76: {  	_ =	shalt  }
0x77: {  	_ =	shalt  }
0x78: {  	_ =	shalt  }
0x79: {  	_ =	shalt  }
0x7a: {  	_ =	shalt  }
0x7b: {  	_ =	shalt  }
0x7c: {  	_ =	shalt  }
0x7d: {  	_ =	shalt  }
0x7e: {  	_ =	shalt  }
0x7f: {  	_ =	shalt  }
0x80: {  	_ =	shalt  }
0x81: {  	_ =	shalt  }
0x82: {  	_ =	shalt  }
0x83: {  	_ =	shalt  }
0x84: {  	_ =	shalt  }
0x85: {  	_ =	shalt  }
0x86: {  	_ =	shalt  }
0x87: {  	_ =	shalt  }
.Lfunc_end0:
.L_simem_size_0:
called_computation_lowered:
.L_overlay_start_0:
0x88: {  	s2 =	sld [smem:$0x3FD9]  }
0x89: {  	s3 =	sld [smem:$0x3FFE];
	_ =	sdelay $0x1  }
0x8a: {  	s1 =	srdreg.scid  }
0x8b: {  	s0 =	sand.u32 $0x1, s1  }
0x8c: {  	s14 =	sshll.u32 s0, $0xA;
	s2 =	sadd.s32 s3, s2  }
0x8d: {  	s2 =	sadd.s32 s2, s14  }
0x8e: {  	[smem:$0x3FC6] =	sst s2  }
0x8f: {  	_ = 	snop  }
0x90: {  	s2 =	sld [smem:$0x3FD0];
	_ =	sdelay $0x2  }
0x91: {  	s15 =	simm.s32 $0xA;
	s4 =	simm.s32 $0x10  }
0x92: {  	[smem:s4], [sflag:s15] =	dma.local [hbm:s2], $0x1  }
0x93: {  	_ =	swait.eq [sflag:s15], $0x1  }
0x94: {  	[sflag:s15] =	ssyncset.done $0x0  }
0x95: {  	[sflag:s15] =	ssyncadd.s32 $0xFFFFFFFF  }
0x96: {  	s16 =	sld [smem:$0x10];
	(tm) =	ssettm $0x1  }
0x97: {  	s17 =	sld [smem:$0x3FFB];
	_ =	sdelay $0x3  }
0x98: {  	_ =	strace s17  }
0x99: {  	s3 =	sld [smem:$0x3FFC];
	_ =	sdelay $0x3  }
0x9a: {  	_ =	strace s3  }
0x9b: {  	s3 =	sld [smem:$0x3FFD];
	_ =	sdelay $0x3  }
0x9c: {  	_ =	strace s3  }
0x9d: {  	_ =	strace $0x8FFFFFFF  }
0x9e: {  	s18 =	sld [smem:$0x3FDB];
	_ =	sdelay $0x1  }
0x9f: {  	s19 =	simm.s32 $_scs_section_size  }
0xa0: {  	s5 =	simm.s32 $_size__tile_overlayer_lowered;
	s6 =	simm.s32 $_tile_overlayer_lowered  }
0xa1: {  	s22 =	simm.s32 $0x1BFF;
	s21 =	sshll.u32 s6, $0x1;
	s3 =	sadd.s32 s19, s18  }
0xa2: {  	s7 =	simm.s32 $0x0;
	s20 =	sshll.u32 s5, $0x1;
	s5 =	sadd.s32 s21, s3  }
0xa3: {  	[timem:s7], [sflag:s22] =	dma.local [hbm:s5], s20  }
0xa4: {  	_ =	swait.ge [sflag:s22], s20  }
0xa5: {  	s4 =	ssub.s32 $0x0, s20;
	[sflag:s22] =	ssyncset.done $0x0  }
0xa6: {  	[sflag:s22] =	ssyncadd.s32 s4;
	_ =	sdelay $0x1  }
0xa7: {  	s23 =	simm.s32 $0x1B8B  }
0xa8: {  	_ =	swait.ge [sflag:s23], $0x1  }
0xa9: {  	[sflag:s23] =	ssyncset.done $0x0  }
0xaa: {  	s25 =	simm.s32 $0x1B8E;
	s24 =	sld [smem:$0x3FFE];
	[sflag:s23] =	ssyncadd.s32 $0xFFFFFFFF  }
0xab: {  	s26 =	simm.s32 $execute0_lowered;
	[smem:$0x3FD2] =	sst s25  }
0xac: {  	s5 =	sshll.u32 s26, $0x1;
	_ =	strace $0x80000046;
	[dreg:$0x1] =	wrdreg $0xFFFFFFFF  }
0xad: {  	s28 =	simm.s32 $_size_execute0_lowered;
	s3 =	sadd.s32 s3, s5;
	[dreg:$0x0] =	wrdreg $0x0  }
0xae: {  	s5 =	sshll.u32 s28, $0x1;
	[dreg:$0x2] =	wrdreg s3  }
0xaf: {  	[dreg:$0x3] =	wrdreg s5  }
0xb0: {  	[dreg:$0x4] =	wrdreg $0xC0  }
0xb1: {  	_ =	task [dreg:s7], $0x5FFFF  }
0xb2: {  	[dreg:$0x1] =	wrdreg $0xFFFFFFFF  }
0xb3: {  	[dreg:$0x0] =	wrdreg $0x60  }
0xb4: {  	[dreg:$0x2] =	wrdreg s24  }
0xb5: {  	[dreg:$0x3] =	wrdreg s16  }
0xb6: {  	[dreg:$0x4] =	wrdreg $0x9  }
0xb7: {  	_ =	task.clear_ibuf [dreg:s7], $0x5FFFF;
	_ =	strace $0x90000046  }
0xb8: {  	s29 =	simm.s32 $0x9;
	_ =	strace $0x80000048  }
0xb9: {  	_ =	swait.ge [sflag:s29], $0x1  }
0xba: {  	[sflag:s29] =	ssyncadd.s32 $0xFFFFFFFF  }
0xbb: {  	_ =	strace $0x90000048  }
0xbc: {  	_ =	sfence  }
0xbd: {  	s30 =	sld [smem:$0x0];
	_ =	sdelay $0x2  }
0xbe: {  	s31 =	sshll.u32 s1, $0xD;
	s1 =	sshrl.u32 s1, $0x2  }
0xbf: {  	s3 =	sand.u32 $0x4000, s31;
	s1 =	sadd.s32 s1, s30  }
0xc0: {  	s0 =	sor.u32 s3, s0;
	s1 =	sshll.u32 s1, $0x11  }
0xc1: {  	s0 =	sor.u32 s1, s0  }
0xc2: {  	s0 =	sadd.s32 $0x8F2B, s0  }
0xc3: {  	[sflag:s0] =	ssyncadd.remote.s32 $0x1  }
0xc4: {  	_ =	sfence.sel $0xFFFF  }
0xc5: {  	[dreg:$0x0] =	wrdreg $0xFFFFFFFF;
	(pc) =	sbr.abs _section_cstart, $3  }
0xc6: {  	[dreg:$0x1] =	wrdreg $0xFFFFFFFF  }
0xc7: {  	_ =	task.clear_ibuf [dreg:s7], $0x2FFFF;
	_ =	strace $0x9FFFFFFF  }
0xc8: {  	(tm) =	ssettm $0x7FFFFFFF  }
0xc9: {  	_ =	shalt  }
tec
execute0_lowered:
.L_overlay_start_1:
0x0: {  	(tag) =	ssettag $0x1  }
0x1: {  	s4 =	rddreg [dreg:$0x0]  }
0x2: {  	s2 =	rddreg [dreg:$0x1];
	s3 =	srdreg.scid  }
0x3: {  	s0 =	rddreg [dreg:$0x2];
	s1 =	stileid.u32;
	s9 =	simm.s32 $0x1  }
0x4: {  	s10 =	simm.s32 $0x4000;
	s11 =	simm.s32 $0x8000;
	s12 =	simm.s32 $0x8200  }
0x5: {  	s13 =	simm.s32 $0x8400;
	s14 =	simm.s32 $0x0;
	s5 =	sand.u32 $0x1, s3  }
0x6: {  	s3 =	simm.s32 $0x0;
	s6 =	sshll.u32 s1, $0x7;
	s7 =	sshll.u32 s5, $0x6  }
0x7: {  	[smem:$0x7FF] =	sst s3;
	s5 =	ssub.s32 $0x2, s5;
	s6 =	sor.u32 s7, s6  }
0x8: {  	_ =	strace $0x80000047;
	s31 =	sshrl.u32 s5, $0x1;
	s7 =	sadd.s32 s6, s4  }
0x9: {  	s4 =	sadd.s32 $0x1800, s4;
	s8 =	ssub.s32 s5, s31;
	s5 =	sadd.s32 $0x1000, s7  }
0xa: {  	s6 =	sadd.s32 $0x2000, s7;
	s7 =	sadd.s32 $0x2800, s7;
	s8 =	smax.u32 s8, $0x1  }
.LBB2_1:
0xb: {  	[tilespmem:s3], [sflag:$0x1] =	stream.linear.gather [hbm4b:s4+s3], $0x4000, $0x38;
	[tilespmem:$0x8600] =	vst v63  }
0xc: {  	_ =	swait.ge [sflag:s9], $0x4000  }
0xd: {  	[sflag:s9] =	ssyncset.done $0x0  }
0xe: {  	[sflag:s9] =	ssyncadd.s32 $0xFFFFC000  }
0xf: {  	[tilespmem:s10], [sflag:$0x1] =	stream.linear.gather [hbm4b:s2+s3], $0x4000, $0x38;
	[tilespmem:$0x8600] =	vst v63  }
0x10: {  	_ =	swait.ge [sflag:s9], $0x4000  }
0x11: {  	[sflag:s9] =	ssyncset.done $0x0  }
0x12: {  	[sflag:s9] =	ssyncadd.s32 $0xFFFFC000  }
0x13: {  	[tilespmem:s11], [sflag:$0x1] =	stream.linear.gather [hbm4b:s5+s3], $0x200, $0x38;
	[tilespmem:$0x8600] =	vst v63  }
0x14: {  	_ =	swait.ge [sflag:s9], $0x200  }
0x15: {  	[sflag:s9] =	ssyncset.done $0x0  }
0x16: {  	s15 =	simm.s32 $0x0;
	[sflag:s9] =	ssyncadd.s32 $0xFFFFFE00  }
0x17: {  	v0 =	vld [tilespmem:s15+$0x8000];
	_ =	sdelay $0x7  }
0x18: {  	v1 =	vld.idx.msk [tilespmem:v0+s3+$0x0], $0xffff;
	_ =	sdelay $0x3  }
0x19: {  	s16 =	simm.s32 $0x10;
	s17 =	simm.s32 $0x80  }
.LBB2_2:
0x1a: {  	p0 =	sne.s32 s17, $0x7C0;
	v2 =	vld [tilespmem:s16+$0x8000];
	[tilespmem:s15+$0x8200] =	vst v1  }
0x1b: {  	v1 =	vld.idx.msk [tilespmem:v0+s10+$0x0], $0xffff;
	_ =	sdelay $0x3  }
0x1c: {  	v0 =	vmov v2;
	_ =	sdelay $0x1  }
0x1d: {  	[tilespmem:s15+$0x8400] =	vst v1;
	s15 =	smov.u32 s16  }
0x1e: {  	v1 =	vld.idx.msk [tilespmem:v2+s3+$0x0], $0xffff  }
.Ltmp0:
0x1f: {  	(pc) =	sbr.rel @p0 .LBB2_2-.Ltmp0, $2  }
0x20: {  	_ =	sdelay $0x2  }
0x21: {  	s16 =	sshra.s32 s17, $0x2;
	s17 =	sadd.s32 $0x40, s17  }
0x22: {  	_ =	sdelay $0x1  }
0x23: {  	v2 =	vld [tilespmem:s16+$0x8000]  }
0x24: {  	[tilespmem:s15+$0x8200] =	vst v1  }
0x25: {  	v0 =	vld.idx.msk [tilespmem:v0+s10+$0x0], $0xffff;
	_ =	sdelay $0x4  }
0x26: {  	[tilespmem:s15+$0x8400] =	vst v0  }
0x27: {  	v0 =	vld.idx.msk [tilespmem:v2+s3+$0x0], $0xffff;
	_ =	sdelay $0x4  }
0x28: {  	[tilespmem:s16+$0x8200] =	vst v0  }
0x29: {  	v0 =	vld.idx.msk [tilespmem:v2+s10+$0x0], $0xffff;
	_ =	sdelay $0x4  }
0x2a: {  	[tilespmem:s16+$0x8400] =	vst v0  }
0x2b: {  	[hbm4b:s6+s3] =	stream.linear.scatter [tilespmem:s12], [sflag:$0x1], $0x200, $0x38;
	[tilespmem:$0x8600] =	vst v63  }
0x2c: {  	s14 =	sadd.s32 $0x1, s14;
	_ =	swait.ge [sflag:s9], $0x200  }
0x2d: {  	p0 =	sne.s32 s14, s8;
	[sflag:s9] =	ssyncset.done $0x0  }
.Ltmp1:
0x2e: {  	[sflag:s9] =	ssyncadd.s32 $0xFFFFFE00;
	(pc) =	sbr.rel @p0 .LBB2_1-.Ltmp1, $4  }
0x2f: {  	[hbm4b:s7+s3] =	stream.linear.scatter [tilespmem:s13], [sflag:$0x1], $0x200, $0x38;
	[tilespmem:$0x8600] =	vst v63  }
0x30: {  	_ =	swait.ge [sflag:s9], $0x200  }
0x31: {  	[sflag:s9] =	ssyncset.done $0x0  }
0x32: {  	[sflag:s9] =	ssyncadd.s32 $0xFFFFFE00  }
0x33: {  	_ =	sfence.sel $0x180000  }
0x34: {  	[bflag:$0x0] =	sbarrier.arrive $0xFFFF  }
0x35: {  	p0 =	sne.s32 s1, $0x0;
	_ =	strace $0x90000047  }
0x36: {  	s0 =	sadd.s32 @!p0 $0x100000, s0;
	[bflag:$0x2] =	sbarrier.arrive $0xFFFF  }
0x37: {  	[sflag:s0] =	ssyncadd.tile.s32 @!p0 $0x1;
	_ =	shalt  }
.Lfunc_end2:
_tile_overlayer_lowered:
.L_overlay_start_2:
0x38: {  	(tag) =	ssettag $0x2  }
0x39: {  	s0 =	rddreg [dreg:$0x0];
	s2 =	stileid.u32  }
0x3a: {  	s1 =	rddreg [dreg:$0x1];
	p0 =	sne.s32 s2, $0x0  }
0x3b: {  	s3 =	rddreg [dreg:$0x2];
	[bflag:$0x3] =	sbarrier.arrive $0xFFFF;
	s2 =	simm.s32 @!p0 $0x1C01  }
0x3c: {  	[timem:s3], [sflag:s2] =	dma.local @!p0 [hbm:s0], s1  }
0x3d: {  	s0 =	simm.s32 @!p0 $0x1  }
0x3e: {  	_ =	swait.ge @!p0 [sflag:s0], s1  }
0x3f: {  	s1 =	ssub.s32 @!p0 $0x0, s1;
	[sflag:s0] =	ssyncset.done @!p0 $0x0  }
0x40: {  	[sflag:s0] =	ssyncadd.s32 @!p0 s1  }
0x41: {  	[bflag:$0x3] =	sbarrier.arrive $0xFFFF  }
0x42: {  	_ =	shalt  }

</sc_bundles>
